<compile_context>
chip_gen: v7x
topology: tpu7x:2x2x1
jax: 0.10.2.dev20260603
libtpu: 0.0.44.dev20260713+nightly
codegen_flags: <defaults>
</compile_context>

<pallas_src>
import functools

import jax
import jax.numpy as jnp
from jax import lax
from jax.experimental import pallas as pl
from jax.experimental.pallas import tpu as pltpu
from jax.experimental.pallas import tpu_sc as plsc

D_MODEL = 1024
D_FF = 4096
N_TOKENS = 8192
CAPACITY = 2048
N_EXPERTS = 8

NC, NS = 2, 16
ENTRIES = CAPACITY * N_EXPERTS
EPW = ENTRIES // (NC * NS)
FLAT = N_TOKENS * N_EXPERTS
FPW = FLAT // NS


def _sc_hist_body(idx_hbm, out_hbm, idx_v, fidx_v, val_v, zero_v, acc_sh):
    c = lax.axis_index("c")
    s = lax.axis_index("s")
    base = (c * NS + s) * EPW

    pltpu.sync_copy(idx_hbm.at[pl.ds(base, EPW)], idx_v)

    eoff = (lax.iota(jnp.int32, 16) & 7) * N_TOKENS
    ones = jnp.ones((16,), jnp.float32)
    zeros = jnp.zeros((16,), jnp.float32)

    def fill(j, carry):
        v = idx_v[pl.ds(j * 16, 16)]
        fidx_v[pl.ds(j * 16, 16)] = v + eoff
        val_v[pl.ds(j * 16, 16)] = ones
        return carry

    lax.fori_loop(0, EPW // 16, fill, 0)

    def zfill(j, carry):
        zero_v[pl.ds(j * 16, 16)] = zeros
        return carry

    lax.fori_loop(0, FPW // 16, zfill, 0)

    pltpu.sync_copy(zero_v, acc_sh.at[pl.ds(s * FPW, FPW)])
    plsc.subcore_barrier()

    pltpu.sync_copy(val_v, acc_sh.at[fidx_v], add=True)
    plsc.subcore_barrier()

    pltpu.sync_copy(acc_sh.at[pl.ds(s * FPW, FPW)],
                    out_hbm.at[c, s // 2, pl.ds((s % 2) * FPW, FPW)])


@functools.cache
def _sc_hist():
    return pl.kernel(
        _sc_hist_body,
        out_type=jax.ShapeDtypeStruct((NC, N_EXPERTS, N_TOKENS), jnp.float32),
        mesh=plsc.VectorSubcoreMesh(core_axis_name="c", subcore_axis_name="s",
                                    num_cores=NC, num_subcores=NS),
        scratch_types=[
            pltpu.VMEM((EPW,), jnp.int32),
            pltpu.VMEM((EPW,), jnp.int32),
            pltpu.VMEM((EPW,), jnp.float32),
            pltpu.VMEM((FPW,), jnp.float32),
            pltpu.VMEM_SHARED((FLAT,), jnp.float32),
        ],
    )


BT = 1024
FC = 2048
NFC = D_FF // FC
NTB = N_TOKENS // BT
RATIO_DENOM = float(CAPACITY * N_EXPERTS * D_FF)


def _tc_ffn_body(x_ref, w1_ref, b1_ref, w2_ref, b2_ref, cnt_ref, iw_ref,
                 out_ref, ratio_ref):
    t = pl.program_id(0)

    xb = x_ref[...].astype(jnp.bfloat16)
    cnt = cnt_ref[0] + cnt_ref[1]
    tcount = jnp.sum(cnt, axis=0)

    y = None
    nnz_w = None
    for fc in range(NFC):
        h = jnp.dot(xb, w1_ref[:, fc * FC:(fc + 1) * FC],
                    preferred_element_type=jnp.float32)
        h = h + b1_ref[:, fc * FC:(fc + 1) * FC]
        mask = h > 0.0
        hb = jnp.where(mask, h, 0.0).astype(jnp.bfloat16)
        nnz = jnp.sum(mask.astype(jnp.float32), axis=1)
        c = jnp.sum(nnz * tcount)
        nnz_w = c if nnz_w is None else nnz_w + c
        p = jnp.dot(hb, w2_ref[fc * FC:(fc + 1) * FC, :],
                    preferred_element_type=jnp.float32)
        y = p if y is None else y + p

    @pl.when(t == 0)
    def _init():
        ratio_ref[...] = jnp.zeros((1, 1), jnp.float32)

    ratio_ref[...] += nnz_w

    wsum = jnp.sum(cnt * iw_ref[...], axis=0)
    out_ref[...] = (y + b2_ref[...]) * wsum[:, None]

    @pl.when(t == NTB - 1)
    def _norm():
        ratio_ref[...] = ratio_ref[...] / RATIO_DENOM


_tc_ffn = pl.pallas_call(
    _tc_ffn_body,
    grid=(NTB,),
    in_specs=[
        pl.BlockSpec((BT, D_MODEL), lambda t: (t, 0)),
        pl.BlockSpec((D_MODEL, D_FF), lambda t: (0, 0)),
        pl.BlockSpec((1, D_FF), lambda t: (0, 0)),
        pl.BlockSpec((D_FF, D_MODEL), lambda t: (0, 0)),
        pl.BlockSpec((1, D_MODEL), lambda t: (0, 0)),
        pl.BlockSpec((NC, N_EXPERTS, BT), lambda t: (0, 0, t)),
        pl.BlockSpec((N_EXPERTS, BT), lambda t: (0, t)),
    ],
    out_specs=[
        pl.BlockSpec((BT, D_MODEL), lambda t: (t, 0)),
        pl.BlockSpec((1, 1), lambda t: (0, 0)),
    ],
    out_shape=[
        jax.ShapeDtypeStruct((N_TOKENS, D_MODEL), jnp.float32),
        jax.ShapeDtypeStruct((1, 1), jnp.float32),
    ],
    compiler_params=pltpu.CompilerParams(
        dimension_semantics=("arbitrary",),
        vmem_limit_bytes=100 * 1024 * 1024,
        allow_input_fusion=(False, True, False, True, False, False, False)),
)


def kernel(inputs, inputs_weight, top_idx, W1, b1, W2, b2):
    top_flat = top_idx.astype(jnp.int32).reshape(-1)
    counts = _sc_hist()(top_flat)
    out, ratio = _tc_ffn(inputs, W1.astype(jnp.bfloat16),
                         b1.reshape(1, -1), W2.astype(jnp.bfloat16),
                         b2.reshape(1, -1), counts, inputs_weight.T)
    return out, ratio[0, 0]

# --- scband reference (transcript-rebuilt; emitter-appended) ---
"""Pipeline reference for scband-experts-2594160247624 (READ-ONLY COPY).

The authoritative reference and input builder live on the scoring server;
editing this copy changes nothing except your own understanding.
"""

import jax, jax.numpy as jnp
import numpy as np

D_MODEL = 1024
D_FF = 4096
N_TOKENS = 8192
CAPACITY = 2048
N_EXPERTS = 8


def setup_inputs(seed: int = 0) -> dict:
    key = jax.random.key(seed)
    k1, k2, k3, k4, k5, k6, k7 = jax.random.split(key, 7)
    inputs = jax.random.normal(k1, (N_TOKENS, D_MODEL), dtype=jnp.float32)
    inputs_weight = jax.random.uniform(k2, (N_TOKENS, N_EXPERTS), dtype=jnp.float32)
    top_idx = jax.random.randint(k3, (CAPACITY, N_EXPERTS), 0, N_TOKENS, dtype=jnp.int64 if jax.config.jax_enable_x64 else jnp.int32)
    # Expert params. The torch module deepcopies a single expert, so all
    # num_local_experts experts start with IDENTICAL weights -> shared params.
    W1 = jax.random.normal(k4, (D_MODEL, D_FF), dtype=jnp.float32) * 0.02
    b1 = jnp.zeros((D_FF,), dtype=jnp.float32)
    W2 = jax.random.normal(k5, (D_FF, D_MODEL), dtype=jnp.float32) * 0.02
    b2 = jnp.zeros((D_MODEL,), dtype=jnp.float32)
    return {"inputs": inputs, "inputs_weight": inputs_weight, "top_idx": top_idx,
            "W1": W1, "b1": b1, "W2": W2, "b2": b2}


def _expert_fwd(x, W1, b1, W2, b2):
    # Expert returns a tuple (out, aux, non_zero_ratio) as required by the
    # Experts.forward branch that divides out_non_zero_ratio at the end.
    h = jax.nn.relu(x @ W1 + b1)
    ratio = jnp.mean((h > 0).astype(jnp.float32))
    out = h @ W2 + b2
    return out, None, ratio


def reference(inputs, inputs_weight, top_idx, W1, b1, W2, b2):
    expert_output = jnp.zeros_like(inputs)
    ratio_sum = jnp.array(0.0, dtype=jnp.float32)
    for e_idx in range(N_EXPERTS):
        token_idx = top_idx[:, e_idx]
        these_tokens = jnp.take(inputs, token_idx, axis=0)
        out, _, ratio = _expert_fwd(these_tokens, W1, b1, W2, b2)
        ratio_sum = ratio_sum + ratio
        w = jnp.take(inputs_weight[:, e_idx], token_idx, axis=0)
        expert_output = expert_output.at[token_idx].add(out * w[:, None].astype(inputs.dtype))
    return expert_output, ratio_sum / N_EXPERTS

if __name__ == "__main__":
    import jax
    _d = setup_inputs()
    print(jax.jit(kernel)(*tuple(_d.values())))

</pallas_src>

<mosaic_0001>
#map = affine_map<(d0, d1) -> (0)>
#map1 = affine_map<(d0, d1) -> (0, 0, 0)>
module attributes {stable_mosaic.version = 14 : i64} {
  func.func @_sc_hist_body(%arg0: i32, %arg1: i32, %arg2: memref<16384xi32, #tpu.memory_space<hbm>>, %arg3: memref<2x8x8192xf32, #tpu.memory_space<hbm>>, %arg4: memref<512xi32, #tpu.memory_space<vmem>>, %arg5: memref<512xi32, #tpu.memory_space<vmem>>, %arg6: memref<512xf32, #tpu.memory_space<vmem>>, %arg7: memref<4096xf32, #tpu.memory_space<vmem>>, %arg8: memref<65536xf32, #tpu.memory_space<vmem_shared>>) attributes {dimension_semantics = [#tpu.dimension_semantics<core_parallel>, #tpu.dimension_semantics<subcore_parallel>], iteration_bounds = array<i64: 2, 16>, scalar_prefetch = 0 : i64, scratch_operands = 5 : i64, tpu.core_type = #tpu.core_type<sc_vector_subcore>, window_params = [{transform_indices = #map}, {transform_indices = #map1}]} {
    %mul3A = arith.constant 16 : i32
    %mul3A_0 = arith.muli %arg0, %mul3A : i32
    %add3A = arith.addi %mul3A_0, %arg1 : i32
    %mul3A_1 = arith.constant 512 : i32
    %mul3A_2 = arith.muli %add3A, %mul3A_1 : i32
    "tpu.region"() ({
      %run_scoped3A = tpu.sem_alloc : memref<!tpu.dma_semaphore, #tpu.memory_space<semaphore_mem>>
      %dma_start3A = tpu.memref_slice %arg2[%mul3A_2] : memref<16384xi32, #tpu.memory_space<hbm>> -> memref<512xi32, #tpu.memory_space<hbm>>
      %dma_start3A_60 = tpu.memref_slice %arg2[%mul3A_2] : memref<16384xi32, #tpu.memory_space<hbm>> -> memref<512xi32, #tpu.memory_space<hbm>>
      tpu.enqueue_dma source(%dma_start3A_60 : memref<512xi32, #tpu.memory_space<hbm>>) target(%arg4 : memref<512xi32, #tpu.memory_space<vmem>>) target_semaphore(%run_scoped3A : memref<!tpu.dma_semaphore, #tpu.memory_space<semaphore_mem>>)
      %dma_wait3A = tpu.memref_slice %arg2[%mul3A_2] : memref<16384xi32, #tpu.memory_space<hbm>> -> memref<512xi32, #tpu.memory_space<hbm>>
      %dma_wait3A_61 = tpu.memref_slice %arg2[%mul3A_2] : memref<16384xi32, #tpu.memory_space<hbm>> -> memref<512xi32, #tpu.memory_space<hbm>>
      tpu.wait_dma2 semaphore(%run_scoped3A : memref<!tpu.dma_semaphore, #tpu.memory_space<semaphore_mem>>) src(%dma_wait3A_61 : memref<512xi32, #tpu.memory_space<hbm>>) dst(%arg4 : memref<512xi32, #tpu.memory_space<vmem>>)
      tpu.yield
    }) : () -> ()
    %iota3A = tpu.iota {dimensions = array<i32: 0>} : vector<16xi32>
    %and3A = arith.constant 7 : i32
    %and3A_3 = vector.broadcast %and3A : i32 to vector<16xi32>
    %and3A_4 = arith.andi %iota3A, %and3A_3 : vector<16xi32>
    %mul3A_5 = arith.constant 8192 : i32
    %mul3A_6 = vector.broadcast %mul3A_5 : i32 to vector<16xi32>
    %mul3A_7 = arith.muli %and3A_4, %mul3A_6 : vector<16xi32>
    %broadcast_in_dim3A = arith.constant 1.000000e+00 : f32
    %broadcast_in_dim3A_8 = vector.broadcast %broadcast_in_dim3A : f32 to vector<16xf32>
    %broadcast_in_dim3A_9 = arith.constant 0.000000e+00 : f32
    %broadcast_in_dim3A_10 = vector.broadcast %broadcast_in_dim3A_9 : f32 to vector<16xf32>
    %scan3A = arith.constant 0 : i32
    %scan3A_11 = arith.constant 0 : i32
    %scan3A_12 = arith.constant 32 : i32
    %scan3A_13 = arith.addi %scan3A_11, %scan3A_12 : i32
    %scan3A_14 = arith.constant 1 : i32
    scf.for %scan3A_60 = %scan3A_11 to %scan3A_13 step %scan3A_14  : i32 {
      %mul3A_61 = arith.constant 16 : i32
      %mul3A_62 = arith.muli %scan3A_60, %mul3A_61 : i32
      %get3A = arith.index_cast %mul3A_62 : i32 to index
      %get3A_63 = tpu.vector_load %arg4[%get3A] {strides = array<i32>} : memref<512xi32, #tpu.memory_space<vmem>>, vector<16xi32>,
      %get3A_64 = vector.shape_cast %get3A_63 : vector<16xi32> to vector<16xi32>
      %add3A_65 = arith.addi %get3A_64, %mul3A_7 : vector<16xi32>
      %mul3A_66 = arith.constant 16 : i32
      %mul3A_67 = arith.muli %scan3A_60, %mul3A_66 : i32
      %swap3A = arith.index_cast %mul3A_67 : i32 to index
      %swap3A_68 = tpu.vector_load %arg5[%swap3A] {strides = array<i32>} : memref<512xi32, #tpu.memory_space<vmem>>, vector<16xi32>,
      %swap3A_69 = vector.shape_cast %swap3A_68 : vector<16xi32> to vector<16xi32>
      %swap3A_70 = vector.shape_cast %add3A_65 : vector<16xi32> to vector<16xi32>
      tpu.vector_store %arg5[%swap3A], %swap3A_70 {strides = array<i32>} : memref<512xi32, #tpu.memory_space<vmem>>, vector<16xi32>,
      %mul3A_71 = arith.constant 16 : i32
      %mul3A_72 = arith.muli %scan3A_60, %mul3A_71 : i32
      %swap3A_73 = arith.index_cast %mul3A_72 : i32 to index
      %swap3A_74 = tpu.vector_load %arg6[%swap3A_73] {strides = array<i32>} : memref<512xf32, #tpu.memory_space<vmem>>, vector<16xf32>,
      %swap3A_75 = vector.shape_cast %swap3A_74 : vector<16xf32> to vector<16xf32>
      %swap3A_76 = vector.shape_cast %broadcast_in_dim3A_8 : vector<16xf32> to vector<16xf32>
      tpu.vector_store %arg6[%swap3A_73], %swap3A_76 {strides = array<i32>} : memref<512xf32, #tpu.memory_space<vmem>>, vector<16xf32>,
    }
    %scan3A_15 = arith.constant 32 : i32
    %scan3A_16 = arith.constant 0 : i32
    %scan3A_17 = arith.constant 0 : i32
    %scan3A_18 = arith.constant 256 : i32
    %scan3A_19 = arith.addi %scan3A_17, %scan3A_18 : i32
    %scan3A_20 = arith.constant 1 : i32
    scf.for %scan3A_60 = %scan3A_17 to %scan3A_19 step %scan3A_20  : i32 {
      %mul3A_61 = arith.constant 16 : i32
      %mul3A_62 = arith.muli %scan3A_60, %mul3A_61 : i32
      %swap3A = arith.index_cast %mul3A_62 : i32 to index
      %swap3A_63 = tpu.vector_load %arg7[%swap3A] {strides = array<i32>} : memref<4096xf32, #tpu.memory_space<vmem>>, vector<16xf32>,
      %swap3A_64 = vector.shape_cast %swap3A_63 : vector<16xf32> to vector<16xf32>
      %swap3A_65 = vector.shape_cast %broadcast_in_dim3A_10 : vector<16xf32> to vector<16xf32>
      tpu.vector_store %arg7[%swap3A], %swap3A_65 {strides = array<i32>} : memref<4096xf32, #tpu.memory_space<vmem>>, vector<16xf32>,
    }
    %scan3A_21 = arith.constant 256 : i32
    %mul3A_22 = arith.constant 4096 : i32
    %mul3A_23 = arith.muli %arg1, %mul3A_22 : i32
    "tpu.region"() ({
      %run_scoped3A = tpu.sem_alloc : memref<!tpu.dma_semaphore, #tpu.memory_space<semaphore_mem>>
      %dma_start3A = tpu.memref_slice %arg8[%mul3A_23] : memref<65536xf32, #tpu.memory_space<vmem_shared>> -> memref<4096xf32, #tpu.memory_space<vmem_shared>>
      %dma_start3A_60 = tpu.memref_slice %arg8[%mul3A_23] : memref<65536xf32, #tpu.memory_space<vmem_shared>> -> memref<4096xf32, #tpu.memory_space<vmem_shared>>
      tpu.enqueue_dma source(%arg7 : memref<4096xf32, #tpu.memory_space<vmem>>) target(%dma_start3A_60 : memref<4096xf32, #tpu.memory_space<vmem_shared>>) target_semaphore(%run_scoped3A : memref<!tpu.dma_semaphore, #tpu.memory_space<semaphore_mem>>)
      %dma_wait3A = tpu.memref_slice %arg8[%mul3A_23] : memref<65536xf32, #tpu.memory_space<vmem_shared>> -> memref<4096xf32, #tpu.memory_space<vmem_shared>>
      %dma_wait3A_61 = tpu.memref_slice %arg8[%mul3A_23] : memref<65536xf32, #tpu.memory_space<vmem_shared>> -> memref<4096xf32, #tpu.memory_space<vmem_shared>>
      tpu.wait_dma2 semaphore(%run_scoped3A : memref<!tpu.dma_semaphore, #tpu.memory_space<semaphore_mem>>) src(%arg7 : memref<4096xf32, #tpu.memory_space<vmem>>) dst(%dma_wait3A_61 : memref<4096xf32, #tpu.memory_space<vmem_shared>>)
      tpu.yield
    }) : () -> ()
    %barrier3A = arith.constant 0 : index
    tpu.barrier barrier_id(%barrier3A)
    "tpu.region"() ({
      %run_scoped3A = tpu.sem_alloc : memref<!tpu.dma_semaphore, #tpu.memory_space<semaphore_mem>>
      %dma_start3A = arith.constant 0 : i32
      %dma_start3A_60 = tpu.memref_slice %arg8[%dma_start3A] : memref<65536xf32, #tpu.memory_space<vmem_shared>> -> memref<65536xf32, #tpu.memory_space<vmem_shared>>
      tpu.enqueue_indirect_dma source(%arg6 : memref<512xf32, #tpu.memory_space<vmem>>) target(%dma_start3A_60 : memref<65536xf32, #tpu.memory_space<vmem_shared>>) offsets(%arg5 : memref<512xi32, #tpu.memory_space<vmem>>) semaphore(%run_scoped3A : memref<!tpu.dma_semaphore, #tpu.memory_space<semaphore_mem>>) {add = true}
      %dma_wait3A = arith.constant 0 : i32
      %dma_wait3A_61 = tpu.memref_slice %arg8[%dma_wait3A] : memref<65536xf32, #tpu.memory_space<vmem_shared>> -> memref<65536xf32, #tpu.memory_space<vmem_shared>>
      tpu.wait_indirect_dma semaphore(%run_scoped3A : memref<!tpu.dma_semaphore, #tpu.memory_space<semaphore_mem>>) src(%arg6 : memref<512xf32, #tpu.memory_space<vmem>>) dst(%dma_wait3A_61 : memref<65536xf32, #tpu.memory_space<vmem_shared>>)
      tpu.yield
    }) : () -> ()
    %barrier3A_24 = arith.constant 0 : index
    tpu.barrier barrier_id(%barrier3A_24)
    %mul3A_25 = arith.constant 4096 : i32
    %mul3A_26 = arith.muli %arg1, %mul3A_25 : i32
    %jit3A = arith.constant 2 : i32
    %div3A = arith.divsi %arg1, %jit3A : i32
    %sign3A = arith.constant 0 : i32
    %sign3A_27 = arith.cmpi sgt, %arg1, %sign3A : i32
    %sign3A_28 = arith.extui %sign3A_27 : i1 to i32
    %sign3A_29 = arith.constant 0 : i32
    %sign3A_30 = arith.cmpi slt, %arg1, %sign3A_29 : i32
    %sign3A_31 = arith.extui %sign3A_30 : i1 to i32
    %sign3A_32 = arith.subi %sign3A_28, %sign3A_31 : i32
    %sign3A_33 = arith.constant 0 : i32
    %sign3A_34 = arith.cmpi sgt, %jit3A, %sign3A_33 : i32
    %sign3A_35 = arith.extui %sign3A_34 : i1 to i32
    %sign3A_36 = arith.constant 0 : i32
    %sign3A_37 = arith.cmpi slt, %jit3A, %sign3A_36 : i32
    %sign3A_38 = arith.extui %sign3A_37 : i1 to i32
    %sign3A_39 = arith.subi %sign3A_35, %sign3A_38 : i32
    %ne3A = arith.cmpi ne, %sign3A_32, %sign3A_39 : i32
    %rem3A = arith.remsi %arg1, %jit3A : i32
    %ne3A_40 = arith.constant 0 : i32
    %ne3A_41 = arith.cmpi ne, %rem3A, %ne3A_40 : i32
    %and3A_42 = arith.andi %ne3A, %ne3A_41 : i1
    %sub3A = arith.constant 1 : i32
    %sub3A_43 = arith.subi %div3A, %sub3A : i32
    %select_n3A = arith.select %and3A_42, %sub3A_43, %div3A : i32
    %jit3A_44 = arith.constant 2 : i32
    %eq3A = arith.constant 0 : i32
    %eq3A_45 = arith.cmpi eq, %jit3A_44, %eq3A : i32
    %jit3A_46 = arith.constant 1 : i32
    %select_n3A_47 = arith.select %eq3A_45, %jit3A_46, %jit3A_44 : i32
    %rem3A_48 = arith.remsi %arg1, %select_n3A_47 : i32
    %ne3A_49 = arith.constant 0 : i32
    %ne3A_50 = arith.cmpi ne, %rem3A_48, %ne3A_49 : i32
    %lt3A = arith.constant 0 : i32
    %lt3A_51 = arith.cmpi slt, %rem3A_48, %lt3A : i32
    %lt3A_52 = arith.constant 0 : i32
    %lt3A_53 = arith.cmpi slt, %select_n3A_47, %lt3A_52 : i32
    %ne3A_54 = arith.xori %lt3A_51, %lt3A_53 : i1
    %and3A_55 = arith.andi %ne3A_54, %ne3A_50 : i1
    %add3A_56 = arith.addi %rem3A_48, %select_n3A_47 : i32
    %select_n3A_57 = arith.select %and3A_55, %add3A_56, %rem3A_48 : i32
    %mul3A_58 = arith.constant 4096 : i32
    %mul3A_59 = arith.muli %select_n3A_57, %mul3A_58 : i32
    "tpu.region"() ({
      %run_scoped3A = tpu.sem_alloc : memref<!tpu.dma_semaphore, #tpu.memory_space<semaphore_mem>>
      %dma_start3A = tpu.memref_slice %arg3[%arg0, %select_n3A, %mul3A_59] : memref<2x8x8192xf32, #tpu.memory_space<hbm>> -> memref<1x1x4096xf32, #tpu.memory_space<hbm>>
      %dma_start3A_60 = tpu.memref_squeeze %dma_start3A : memref<1x1x4096xf32, #tpu.memory_space<hbm>> -> memref<4096xf32, #tpu.memory_space<hbm>>
      %dma_start3A_61 = tpu.memref_slice %arg8[%mul3A_26] : memref<65536xf32, #tpu.memory_space<vmem_shared>> -> memref<4096xf32, #tpu.memory_space<vmem_shared>>
      tpu.enqueue_dma source(%dma_start3A_61 : memref<4096xf32, #tpu.memory_space<vmem_shared>>) target(%dma_start3A_60 : memref<4096xf32, #tpu.memory_space<hbm>>) target_semaphore(%run_scoped3A : memref<!tpu.dma_semaphore, #tpu.memory_space<semaphore_mem>>)
      %dma_wait3A = tpu.memref_slice %arg3[%arg0, %select_n3A, %mul3A_59] : memref<2x8x8192xf32, #tpu.memory_space<hbm>> -> memref<1x1x4096xf32, #tpu.memory_space<hbm>>
      %dma_wait3A_62 = tpu.memref_squeeze %dma_wait3A : memref<1x1x4096xf32, #tpu.memory_space<hbm>> -> memref<4096xf32, #tpu.memory_space<hbm>>
      %dma_wait3A_63 = tpu.memref_slice %arg8[%mul3A_26] : memref<65536xf32, #tpu.memory_space<vmem_shared>> -> memref<4096xf32, #tpu.memory_space<vmem_shared>>
      tpu.wait_dma2 semaphore(%run_scoped3A : memref<!tpu.dma_semaphore, #tpu.memory_space<semaphore_mem>>) src(%dma_wait3A_63 : memref<4096xf32, #tpu.memory_space<vmem_shared>>) dst(%dma_wait3A_62 : memref<4096xf32, #tpu.memory_space<hbm>>)
      tpu.yield
    }) : () -> ()
    return
  }
}

module attributes {stable_mosaic.version = 14 : i64} {
  func.func @_tc_ffn_body(%arg0: i32, %arg1: memref<1024x1024xf32, #tpu.memory_space<vmem>>, %arg2: memref<1024x4096xbf16, #tpu.memory_space<vmem>>, %arg3: memref<1x4096xf32, #tpu.memory_space<vmem>>, %arg4: memref<4096x1024xbf16, #tpu.memory_space<vmem>>, %arg5: memref<1x1024xf32, #tpu.memory_space<vmem>>, %arg6: memref<2x8x1024xf32, #tpu.memory_space<vmem>>, %arg7: memref<8x1024xf32, #tpu.memory_space<vmem>>, %arg8: memref<1024x1024xf32, #tpu.memory_space<vmem>>, %arg9: memref<1x1xf32, #tpu.memory_space<vmem>>) attributes {dimension_semantics = [#tpu.dimension_semantics<arbitrary>], iteration_bounds = array<i64: 8>, scalar_prefetch = 0 : i64, scratch_operands = 0 : i64, tpu.core_type = #tpu.core_type<tc>, window_params = [{transform_indices = @transform_0, window_bounds = array<i64: 1024, 1024>}, {pipeline_mode = #tpu.pipeline_mode<synchronous>, transform_indices = @transform_1, window_bounds = array<i64: 1024, 4096>}, {pipeline_mode = #tpu.pipeline_mode<synchronous>, transform_indices = @transform_2, window_bounds = array<i64: 1, 4096>}, {pipeline_mode = #tpu.pipeline_mode<synchronous>, transform_indices = @transform_3, window_bounds = array<i64: 4096, 1024>}, {pipeline_mode = #tpu.pipeline_mode<synchronous>, transform_indices = @transform_4, window_bounds = array<i64: 1, 1024>}, {transform_indices = @transform_5, window_bounds = array<i64: 2, 8, 1024>}, {transform_indices = @transform_6, window_bounds = array<i64: 8, 1024>}, {transform_indices = @transform_7, window_bounds = array<i64: 1024, 1024>}, {pipeline_mode = #tpu.pipeline_mode<synchronous>, transform_indices = @transform_8, window_bounds = array<i64: 1, 1>}]} {
    %get3A = arith.constant 0 : index
    %get3A_0 = arith.constant 0 : index
    %get3A_1 = vector.load %arg1[%get3A, %get3A_0] : memref<1024x1024xf32, #tpu.memory_space<vmem>>, vector<1024x1024xf32>
    %convert_element_type3A = arith.truncf %get3A_1 : vector<1024x1024xf32> to vector<1024x1024xbf16>
    %get3A_2 = arith.constant 0 : index
    %get3A_3 = arith.constant 0 : index
    %get3A_4 = arith.constant 0 : index
    %get3A_5 = vector.load %arg6[%get3A_2, %get3A_3, %get3A_4] : memref<2x8x1024xf32, #tpu.memory_space<vmem>>, vector<1x8x1024xf32>
    %get3A_6 = vector.shape_cast %get3A_5 : vector<1x8x1024xf32> to vector<8x1024xf32>
    %get3A_7 = arith.constant 1 : index
    %get3A_8 = arith.constant 0 : index
    %get3A_9 = arith.constant 0 : index
    %get3A_10 = vector.load %arg6[%get3A_7, %get3A_8, %get3A_9] : memref<2x8x1024xf32, #tpu.memory_space<vmem>>, vector<1x8x1024xf32>
    %get3A_11 = vector.shape_cast %get3A_10 : vector<1x8x1024xf32> to vector<8x1024xf32>
    %add3A = arith.addf %get3A_6, %get3A_11 : vector<8x1024xf32>
    %reduce_sum3A = arith.constant dense<0.000000e+00> : vector<1024xf32>
    %reduce_sum3A_12 = vector.multi_reduction <add>, %add3A, %reduce_sum3A [0] : vector<8x1024xf32> to vector<1024xf32>
    %get3A_13 = arith.constant 0 : index
    %get3A_14 = arith.constant 0 : index
    %get3A_15 = vector.load %arg2[%get3A_13, %get3A_14] : memref<1024x4096xbf16, #tpu.memory_space<vmem>>, vector<1024x2048xbf16>
    %dot_general3A = arith.constant dense<0.000000e+00> : vector<1024x2048xf32>
    %dot_general3A_16 = tpu.matmul %convert_element_type3A, %get3A_15, %dot_general3A {dimension_numbers = #tpu.dot_dimension_numbers<[1], [0], [0], [1], [0, 0, 1, 1], [], []>, transpose_lhs_hint = false} : vector<1024x1024xbf16>, vector<1024x2048xbf16>, vector<1024x2048xf32> -> vector<1024x2048xf32>
    %get3A_17 = arith.constant 0 : index
    %get3A_18 = arith.constant 0 : index
    %get3A_19 = vector.load %arg3[%get3A_17, %get3A_18] : memref<1x4096xf32, #tpu.memory_space<vmem>>, vector<1x2048xf32>
    %add3A_20 = vector.broadcast %get3A_19 : vector<1x2048xf32> to vector<1024x2048xf32>
    %add3A_21 = arith.addf %dot_general3A_16, %add3A_20 : vector<1024x2048xf32>
    %gt3A = arith.constant 0.000000e+00 : f32
    %gt3A_22 = vector.broadcast %gt3A : f32 to vector<1024x2048xf32>
    %gt3A_23 = arith.cmpf ogt, %add3A_21, %gt3A_22 : vector<1024x2048xf32>
    %jit3A = arith.constant 0.000000e+00 : f32
    %broadcast_in_dim3A = vector.broadcast %jit3A : f32 to vector<1024x2048xf32>
    %select_n3A = arith.select %gt3A_23, %add3A_21, %broadcast_in_dim3A : vector<1024x2048xi1>, vector<1024x2048xf32>
    %convert_element_type3A_24 = arith.truncf %select_n3A : vector<1024x2048xf32> to vector<1024x2048xbf16>
    %convert_element_type3A_25 = arith.extui %gt3A_23 : vector<1024x2048xi1> to vector<1024x2048xi32>
    %convert_element_type3A_26 = arith.sitofp %convert_element_type3A_25 : vector<1024x2048xi32> to vector<1024x2048xf32>
    %reduce_sum3A_27 = arith.constant dense<0.000000e+00> : vector<1024xf32>
    %reduce_sum3A_28 = vector.multi_reduction <add>, %convert_element_type3A_26, %reduce_sum3A_27 [1] : vector<1024x2048xf32> to vector<1024xf32>
    %mul3A = arith.mulf %reduce_sum3A_28, %reduce_sum3A_12 : vector<1024xf32>
    %reduce_sum3A_29 = vector.shape_cast %mul3A : vector<1024xf32> to vector<1x1024xf32>
    %reduce_sum3A_30 = arith.constant dense<0.000000e+00> : vector<1xf32>
    %reduce_sum3A_31 = vector.multi_reduction <add>, %reduce_sum3A_29, %reduce_sum3A_30 [1] : vector<1x1024xf32> to vector<1xf32>
    %reduce_sum3A_32 = vector.shape_cast %reduce_sum3A_31 : vector<1xf32> to vector<1x1xf32>
    %reduce_sum3A_33 = vector.extract %reduce_sum3A_32[0, 0] : f32 from vector<1x1xf32>
    %get3A_34 = arith.constant 0 : index
    %get3A_35 = arith.constant 0 : index
    %get3A_36 = vector.load %arg4[%get3A_34, %get3A_35] : memref<4096x1024xbf16, #tpu.memory_space<vmem>>, vector<2048x1024xbf16>
    %dot_general3A_37 = arith.constant dense<0.000000e+00> : vector<1024x1024xf32>
    %dot_general3A_38 = tpu.matmul %convert_element_type3A_24, %get3A_36, %dot_general3A_37 {dimension_numbers = #tpu.dot_dimension_numbers<[1], [0], [0], [1], [0, 0, 1, 1], [], []>, transpose_lhs_hint = false} : vector<1024x2048xbf16>, vector<2048x1024xbf16>, vector<1024x1024xf32> -> vector<1024x1024xf32>
    %get3A_39 = arith.constant 0 : index
    %get3A_40 = arith.constant 2048 : index
    %get3A_41 = vector.load %arg2[%get3A_39, %get3A_40] : memref<1024x4096xbf16, #tpu.memory_space<vmem>>, vector<1024x2048xbf16>
    %dot_general3A_42 = arith.constant dense<0.000000e+00> : vector<1024x2048xf32>
    %dot_general3A_43 = tpu.matmul %convert_element_type3A, %get3A_41, %dot_general3A_42 {dimension_numbers = #tpu.dot_dimension_numbers<[1], [0], [0], [1], [0, 0, 1, 1], [], []>, transpose_lhs_hint = false} : vector<1024x1024xbf16>, vector<1024x2048xbf16>, vector<1024x2048xf32> -> vector<1024x2048xf32>
    %get3A_44 = arith.constant 0 : index
    %get3A_45 = arith.constant 2048 : index
    %get3A_46 = vector.load %arg3[%get3A_44, %get3A_45] : memref<1x4096xf32, #tpu.memory_space<vmem>>, vector<1x2048xf32>
    %add3A_47 = vector.broadcast %get3A_46 : vector<1x2048xf32> to vector<1024x2048xf32>
    %add3A_48 = arith.addf %dot_general3A_43, %add3A_47 : vector<1024x2048xf32>
    %gt3A_49 = arith.constant 0.000000e+00 : f32
    %gt3A_50 = vector.broadcast %gt3A_49 : f32 to vector<1024x2048xf32>
    %gt3A_51 = arith.cmpf ogt, %add3A_48, %gt3A_50 : vector<1024x2048xf32>
    %jit3A_52 = arith.constant 0.000000e+00 : f32
    %broadcast_in_dim3A_53 = vector.broadcast %jit3A_52 : f32 to vector<1024x2048xf32>
    %select_n3A_54 = arith.select %gt3A_51, %add3A_48, %broadcast_in_dim3A_53 : vector<1024x2048xi1>, vector<1024x2048xf32>
    %convert_element_type3A_55 = arith.truncf %select_n3A_54 : vector<1024x2048xf32> to vector<1024x2048xbf16>
    %convert_element_type3A_56 = arith.extui %gt3A_51 : vector<1024x2048xi1> to vector<1024x2048xi32>
    %convert_element_type3A_57 = arith.sitofp %convert_element_type3A_56 : vector<1024x2048xi32> to vector<1024x2048xf32>
    %reduce_sum3A_58 = arith.constant dense<0.000000e+00> : vector<1024xf32>
    %reduce_sum3A_59 = vector.multi_reduction <add>, %convert_element_type3A_57, %reduce_sum3A_58 [1] : vector<1024x2048xf32> to vector<1024xf32>
    %mul3A_60 = arith.mulf %reduce_sum3A_59, %reduce_sum3A_12 : vector<1024xf32>
    %reduce_sum3A_61 = vector.shape_cast %mul3A_60 : vector<1024xf32> to vector<1x1024xf32>
    %reduce_sum3A_62 = arith.constant dense<0.000000e+00> : vector<1xf32>
    %reduce_sum3A_63 = vector.multi_reduction <add>, %reduce_sum3A_61, %reduce_sum3A_62 [1] : vector<1x1024xf32> to vector<1xf32>
    %reduce_sum3A_64 = vector.shape_cast %reduce_sum3A_63 : vector<1xf32> to vector<1x1xf32>
    %reduce_sum3A_65 = vector.extract %reduce_sum3A_64[0, 0] : f32 from vector<1x1xf32>
    %add3A_66 = arith.addf %reduce_sum3A_33, %reduce_sum3A_65 : f32
    %get3A_67 = arith.constant 2048 : index
    %get3A_68 = arith.constant 0 : index
    %get3A_69 = vector.load %arg4[%get3A_67, %get3A_68] : memref<4096x1024xbf16, #tpu.memory_space<vmem>>, vector<2048x1024xbf16>
    %dot_general3A_70 = arith.constant dense<0.000000e+00> : vector<1024x1024xf32>
    %dot_general3A_71 = tpu.matmul %convert_element_type3A_55, %get3A_69, %dot_general3A_70 {dimension_numbers = #tpu.dot_dimension_numbers<[1], [0], [0], [1], [0, 0, 1, 1], [], []>, transpose_lhs_hint = false} : vector<1024x2048xbf16>, vector<2048x1024xbf16>, vector<1024x1024xf32> -> vector<1024x1024xf32>
    %add3A_72 = arith.addf %dot_general3A_38, %dot_general3A_71 : vector<1024x1024xf32>
    %eq3A = arith.constant 0 : i32
    %eq3A_73 = arith.cmpi eq, %arg0, %eq3A : i32
    %convert_element_type3A_74 = arith.extui %eq3A_73 : i1 to i32
    %cond3A = arith.constant 0 : i32
    %cond3A_75 = arith.cmpi ne, %convert_element_type3A_74, %cond3A : i32
    scf.if %cond3A_75 {
      %broadcast_in_dim3A_105 = arith.constant 0.000000e+00 : f32
      %broadcast_in_dim3A_106 = vector.broadcast %broadcast_in_dim3A_105 : f32 to vector<1x1xf32>
      %swap3A_107 = arith.constant 0 : index
      %swap3A_108 = arith.constant 0 : index
      %swap3A_109 = vector.load %arg9[%swap3A_107, %swap3A_108] : memref<1x1xf32, #tpu.memory_space<vmem>>, vector<1x1xf32>
      tpu.vector_store %arg9[%swap3A_107, %swap3A_108], %broadcast_in_dim3A_106 {strides = array<i32>} : memref<1x1xf32, #tpu.memory_space<vmem>>, vector<1x1xf32>,
    } else {
    }
    %get3A_76 = arith.constant 0 : index
    %get3A_77 = arith.constant 0 : index
    %get3A_78 = vector.load %arg9[%get3A_76, %get3A_77] : memref<1x1xf32, #tpu.memory_space<vmem>>, vector<1x1xf32>
    %add3A_79 = vector.broadcast %add3A_66 : f32 to vector<1x1xf32>
    %add3A_80 = arith.addf %get3A_78, %add3A_79 : vector<1x1xf32>
    %swap3A = arith.constant 0 : index
    %swap3A_81 = arith.constant 0 : index
    %swap3A_82 = vector.load %arg9[%swap3A, %swap3A_81] : memref<1x1xf32, #tpu.memory_space<vmem>>, vector<1x1xf32>
    tpu.vector_store %arg9[%swap3A, %swap3A_81], %add3A_80 {strides = array<i32>} : memref<1x1xf32, #tpu.memory_space<vmem>>, vector<1x1xf32>,
    %get3A_83 = arith.constant 0 : index
    %get3A_84 = arith.constant 0 : index
    %get3A_85 = vector.load %arg7[%get3A_83, %get3A_84] : memref<8x1024xf32, #tpu.memory_space<vmem>>, vector<8x1024xf32>
    %mul3A_86 = arith.mulf %add3A, %get3A_85 : vector<8x1024xf32>
    %reduce_sum3A_87 = arith.constant dense<0.000000e+00> : vector<1024xf32>
    %reduce_sum3A_88 = vector.multi_reduction <add>, %mul3A_86, %reduce_sum3A_87 [0] : vector<8x1024xf32> to vector<1024xf32>
    %get3A_89 = arith.constant 0 : index
    %get3A_90 = arith.constant 0 : index
    %get3A_91 = vector.load %arg5[%get3A_89, %get3A_90] : memref<1x1024xf32, #tpu.memory_space<vmem>>, vector<1x1024xf32>
    %add3A_92 = vector.broadcast %get3A_91 : vector<1x1024xf32> to vector<1024x1024xf32>
    %add3A_93 = arith.addf %add3A_72, %add3A_92 : vector<1024x1024xf32>
    %broadcast_in_dim3A_94 = vector.shape_cast %reduce_sum3A_88 : vector<1024xf32> to vector<1024x1xf32>
    %mul3A_95 = vector.broadcast %broadcast_in_dim3A_94 : vector<1024x1xf32> to vector<1024x1024xf32>
    %mul3A_96 = arith.mulf %add3A_93, %mul3A_95 : vector<1024x1024xf32>
    %swap3A_97 = arith.constant 0 : index
    %swap3A_98 = arith.constant 0 : index
    %swap3A_99 = vector.load %arg8[%swap3A_97, %swap3A_98] : memref<1024x1024xf32, #tpu.memory_space<vmem>>, vector<1024x1024xf32>
    tpu.vector_store %arg8[%swap3A_97, %swap3A_98], %mul3A_96 {strides = array<i32>} : memref<1024x1024xf32, #tpu.memory_space<vmem>>, vector<1024x1024xf32>,
    %eq3A_100 = arith.constant 7 : i32
    %eq3A_101 = arith.cmpi eq, %arg0, %eq3A_100 : i32
    %convert_element_type3A_102 = arith.extui %eq3A_101 : i1 to i32
    %cond3A_103 = arith.constant 0 : i32
    %cond3A_104 = arith.cmpi ne, %convert_element_type3A_102, %cond3A_103 : i32
    scf.if %cond3A_104 {
      %get3A_105 = arith.constant 0 : index
      %get3A_106 = arith.constant 0 : index
      %get3A_107 = vector.load %arg9[%get3A_105, %get3A_106] : memref<1x1xf32, #tpu.memory_space<vmem>>, vector<1x1xf32>
      %div3A = arith.constant 0x4C800000 : f32
      %div3A_108 = vector.broadcast %div3A : f32 to vector<1x1xf32>
      %div3A_109 = arith.divf %get3A_107, %div3A_108 : vector<1x1xf32>
      %swap3A_110 = arith.constant 0 : index
      %swap3A_111 = arith.constant 0 : index
      %swap3A_112 = vector.load %arg9[%swap3A_110, %swap3A_111] : memref<1x1xf32, #tpu.memory_space<vmem>>, vector<1x1xf32>
      tpu.vector_store %arg9[%swap3A_110, %swap3A_111], %div3A_109 {strides = array<i32>} : memref<1x1xf32, #tpu.memory_space<vmem>>, vector<1x1xf32>,
    } else {
    }
    return
  }
  func.func @transform_0(%arg0: i32) -> (i32, i32) {
    %c0_i32 = arith.constant 0 : i32
    %c0_i32_0 = arith.constant 0 : i32
    return %arg0, %c0_i32 : i32, i32
  }
  func.func @transform_1(%arg0: i32) -> (i32, i32) {
    %c0_i32 = arith.constant 0 : i32
    %c0_i32_0 = arith.constant 0 : i32
    %c0_i32_1 = arith.constant 0 : i32
    return %c0_i32, %c0_i32_0 : i32, i32
  }
  func.func @transform_2(%arg0: i32) -> (i32, i32) {
    %c0_i32 = arith.constant 0 : i32
    %c0_i32_0 = arith.constant 0 : i32
    %c0_i32_1 = arith.constant 0 : i32
    return %c0_i32, %c0_i32_0 : i32, i32
  }
  func.func @transform_3(%arg0: i32) -> (i32, i32) {
    %c0_i32 = arith.constant 0 : i32
    %c0_i32_0 = arith.constant 0 : i32
    %c0_i32_1 = arith.constant 0 : i32
    return %c0_i32, %c0_i32_0 : i32, i32
  }
  func.func @transform_4(%arg0: i32) -> (i32, i32) {
    %c0_i32 = arith.constant 0 : i32
    %c0_i32_0 = arith.constant 0 : i32
    %c0_i32_1 = arith.constant 0 : i32
    return %c0_i32, %c0_i32_0 : i32, i32
  }
  func.func @transform_5(%arg0: i32) -> (i32, i32, i32) {
    %c0_i32 = arith.constant 0 : i32
    %c0_i32_0 = arith.constant 0 : i32
    %c0_i32_1 = arith.constant 0 : i32
    return %c0_i32, %c0_i32_0, %arg0 : i32, i32, i32
  }
  func.func @transform_6(%arg0: i32) -> (i32, i32) {
    %c0_i32 = arith.constant 0 : i32
    %c0_i32_0 = arith.constant 0 : i32
    return %c0_i32, %arg0 : i32, i32
  }
  func.func @transform_7(%arg0: i32) -> (i32, i32) {
    %c0_i32 = arith.constant 0 : i32
    %c0_i32_0 = arith.constant 0 : i32
    return %arg0, %c0_i32 : i32, i32
  }
  func.func @transform_8(%arg0: i32) -> (i32, i32) {
    %c0_i32 = arith.constant 0 : i32
    %c0_i32_0 = arith.constant 0 : i32
    %c0_i32_1 = arith.constant 0 : i32
    return %c0_i32, %c0_i32_0 : i32, i32
  }
}

</mosaic_0001>

<sc_bundles>
// kernel: kernel.4.cloned.1.call-start
scs
__scs_entry_jumppad:
0x0: {  	(pc) =	sbr.rel $0x88, $3  }
0x1: {  	(tag) =	ssettag $0x0;
	lr =	simm.s32 $0x1  }
0x2: {  	[smem:$0x3F9A] =	sst lr;
	_ =	strace $0xD0000000  }
0x3: {  	_ = 	snop  }
0x4: {  	_ = 	snop  }
0x5: {  	_ = 	snop  }
0x6: {  	_ = 	snop  }
0x7: {  	_ = 	snop  }
__scs_overlays_trampoline_lowered:
0x8: {  	[smem:$0x3FA9] =	sst s0  }
0x9: {  	[smem:$0x3FAA] =	sst s1  }
0xa: {  	[smem:$0x3FAB] =	sst s2  }
0xb: {  	[smem:$0x3FAC] =	sst s3  }
0xc: {  	[smem:$0x3FAD] =	sst s4  }
0xd: {  	[smem:$0x3FAE] =	sst s5  }
0xe: {  	[smem:$0x3FAF] =	sst s6  }
0xf: {  	[smem:$0x3FB0] =	sst s7  }
0x10: {  	[smem:$0x3FB1] =	sst s8  }
0x11: {  	[smem:$0x3FB2] =	sst s9;
	s0 =	simm.s32 @!p0 $0x0  }
0x12: {  	s1 =	sld [smem:$0x3F98];
	s0 =	simm.s32 @p0 $0x1  }
0x13: {  	[smem:$0x3FB3] =	sst s0;
	s0 =	simm.s32 @!p1 $0x0  }
0x14: {  	s2 =	sld [smem:$0x3F97];
	s0 =	simm.s32 @p1 $0x1  }
0x15: {  	[smem:$0x3FB4] =	sst s0;
	s0 =	simm.s32 @!p2 $0x0  }
0x16: {  	s3 =	sld [smem:$0x3FDB];
	s0 =	simm.s32 @p2 $0x1  }
0x17: {  	s4 =	simm.s32 $0x1BF5;
	[smem:$0x3FB6] =	sst s0  }
0x18: {  	s0 =	sld [smem:$0x3F99];
	_ =	swait.ge [sflag:s4], $0x0  }
0x19: {  	s7 =	sld [smem:$0x3F9A]  }
0x1a: {  	s8 =	sadd.s32 $0xFFFFE003, lr  }
0x1b: {  	s9 =	sadd.s32 $0xFFFFFEF7, lr;
	s5 =	simm.s32 $0xFFFFFFFF;
	p2 =	slt.u32 s8, $0xFFFFF086  }
0x1c: {  	p1 =	slt.u32 s9, $0xF7A;
	s5 =	simm.s32 @!p2 $0x0  }
0x1d: {  	s5 =	simm.s32 @p1 $0x1;
	p0 =	seq.s32 s7, s2  }
0x1e: {  	s7 =	smul.u32 @!p0 $0xF7A, s2;
	p2 =	seq.s32 @!p0 s5, $0x0  }
0x1f: {  	s9 =	smul.u32 $0xF7A, s1;
	s8 =	simm.s32 @!p0 $0x1BF5;
	p2 =	por !p2, p0  }
0x20: {  	[sflag:s8] =	ssyncset.s32 @!p0 $0xFFFFF086;
	s6 =	sadd.s32 @!p0 s3, s7;
	s7 =	simm.s32 @!p0 $0x108  }
0x21: {  	s3 =	sadd.s32 s3, s9;
	s6 =	sadd.s32 @!p0 $0x88, s6;
	s7 =	simm.s32 @p2 $0x1082  }
0x22: {  	[simem:s7], [sflag:s8] =	dma.local @!p0 [hbm:s6], $0xF7A  }
0x23: {  	s9 =	sor.u32 $0xD0000000, s2;
	s6 =	simm.s32 $0x108;
	_ =	swait.ge @!p0 [sflag:s8], $0x0  }
0x24: {  	s3 =	sadd.s32 $0x88, s3;
	s6 =	simm.s32 @!p1 $0x1082;
	[sflag:s4] =	ssyncset.s32 $0xFFFFF086  }
0x25: {  	[simem:s6], [sflag:s4] =	dma.local [hbm:s3], $0xF7A  }
0x26: {  	[smem:$0x3F9A] =	sst s1;
	(tag) =	ssettag s2;
	_ =	strace s9  }
0x27: {  	s1 =	sld [smem:$0x3FAA]  }
0x28: {  	s2 =	sld [smem:$0x3FAB]  }
0x29: {  	s4 =	sld [smem:$0x3FAD]  }
0x2a: {  	p0 =	seq.s32 s5, $0x0;
	s5 =	sld [smem:$0x3FAE]  }
0x2b: {  	s6 =	sld [smem:$0x3FAF]  }
0x2c: {  	s7 =	sld [smem:$0x3FB0]  }
0x2d: {  	s3 =	simm.s32 $0x108;
	s8 =	sld [smem:$0x3FB1]  }
0x2e: {  	s3 =	simm.s32 @!p0 $0x1082;
	s9 =	sld [smem:$0x3FB2]  }
0x2f: {  	lr =	sadd.s32 s0, s3;
	s0 =	sld [smem:$0x3FA9]  }
0x30: {  	s3 =	sld [smem:$0x3FAC]  }
0x31: {  	[smem:$0x3FB5] =	sst s10  }
0x32: {  	s10 =	sld [smem:$0x3FB3];
	_ =	sdelay $0x3  }
0x33: {  	p0 =	seq.s32 s10, $0x1;
	s10 =	sld [smem:$0x3FB5];
	_ =	sdelay $0x3  }
0x34: {  	[smem:$0x3FB5] =	sst s10  }
0x35: {  	s10 =	sld [smem:$0x3FB4];
	_ =	sdelay $0x3  }
0x36: {  	p1 =	seq.s32 s10, $0x1;
	s10 =	sld [smem:$0x3FB5];
	_ =	sdelay $0x3  }
0x37: {  	[smem:$0x3FB5] =	sst s10  }
0x38: {  	s10 =	sld [smem:$0x3FB6]  }
0x39: {  	_ = 	snop;
	(pc) =	sbr.ind lr, $3  }
0x3a: {  	_ = 	snop  }
0x3b: {  	_ = 	snop  }
0x3c: {  	p2 =	seq.s32 s10, $0x1;
	s10 =	sld [smem:$0x3FB5]  }
0x3d: {  	_ =	shalt  }
0x3e: {  	_ =	shalt  }
0x3f: {  	_ =	shalt  }
0x40: {  	_ =	shalt  }
0x41: {  	_ =	shalt  }
0x42: {  	_ =	shalt  }
0x43: {  	_ =	shalt  }
0x44: {  	_ =	shalt  }
0x45: {  	_ =	shalt  }
0x46: {  	_ =	shalt  }
0x47: {  	_ =	shalt  }
0x48: {  	_ =	shalt  }
0x49: {  	_ =	shalt  }
0x4a: {  	_ =	shalt  }
0x4b: {  	_ =	shalt  }
0x4c: {  	_ =	shalt  }
0x4d: {  	_ =	shalt  }
0x4e: {  	_ =	shalt  }
0x4f: {  	_ =	shalt  }
0x50: {  	_ =	shalt  }
0x51: {  	_ =	shalt  }
0x52: {  	_ =	shalt  }
0x53: {  	_ =	shalt  }
0x54: {  	_ =	shalt  }
0x55: {  	_ =	shalt  }
0x56: {  	_ =	shalt  }
0x57: {  	_ =	shalt  }
0x58: {  	_ =	shalt  }
0x59: {  	_ =	shalt  }
0x5a: {  	_ =	shalt  }
0x5b: {  	_ =	shalt  }
0x5c: {  	_ =	shalt  }
0x5d: {  	_ =	shalt  }
0x5e: {  	_ =	shalt  }
0x5f: {  	_ =	shalt  }
0x60: {  	_ =	shalt  }
0x61: {  	_ =	shalt  }
0x62: {  	_ =	shalt  }
0x63: {  	_ =	shalt  }
0x64: {  	_ =	shalt  }
0x65: {  	_ =	shalt  }
0x66: {  	_ =	shalt  }
0x67: {  	_ =	shalt  }
0x68: {  	_ =	shalt  }
0x69: {  	_ =	shalt  }
0x6a: {  	_ =	shalt  }
0x6b: {  	_ =	shalt  }
0x6c: {  	_ =	shalt  }
0x6d: {  	_ =	shalt  }
0x6e: {  	_ =	shalt  }
0x6f: {  	_ =	shalt  }
0x70: {  	_ =	shalt  }
0x71: {  	_ =	shalt  }
0x72: {  	_ =	shalt  }
0x73: {  	_ =	shalt  }
0x74: {  	_ =	shalt  }
0x75: {  	_ =	shalt  }
0x76: {  	_ =	shalt  }
0x77: {  	_ =	shalt  }
0x78: {  	_ =	shalt  }
0x79: {  	_ =	shalt  }
0x7a: {  	_ =	shalt  }
0x7b: {  	_ =	shalt  }
0x7c: {  	_ =	shalt  }
0x7d: {  	_ =	shalt  }
0x7e: {  	_ =	shalt  }
0x7f: {  	_ =	shalt  }
0x80: {  	_ =	shalt  }
0x81: {  	_ =	shalt  }
0x82: {  	_ =	shalt  }
0x83: {  	_ =	shalt  }
0x84: {  	_ =	shalt  }
0x85: {  	_ =	shalt  }
0x86: {  	_ =	shalt  }
0x87: {  	_ =	shalt  }
.Lfunc_end0:
.L_simem_size_0:
called_computation_lowered:
.L_overlay_start_0:
0x88: {  	s2 =	sld [smem:$0x3FD9]  }
0x89: {  	s3 =	sld [smem:$0x3FFE];
	_ =	sdelay $0x1  }
0x8a: {  	s1 =	srdreg.scid  }
0x8b: {  	s0 =	sand.u32 $0x1, s1  }
0x8c: {  	s14 =	sshll.u32 s0, $0xA;
	s2 =	sadd.s32 s3, s2  }
0x8d: {  	s2 =	sadd.s32 s2, s14  }
0x8e: {  	[smem:$0x3FC1] =	sst s2  }
0x8f: {  	_ = 	snop  }
0x90: {  	s2 =	sld [smem:$0x3FD0];
	_ =	sdelay $0x2  }
0x91: {  	s15 =	simm.s32 $0xA;
	s4 =	simm.s32 $0x10  }
0x92: {  	[smem:s4], [sflag:s15] =	dma.local [hbm:s2], $0x1  }
0x93: {  	_ =	swait.eq [sflag:s15], $0x1  }
0x94: {  	[sflag:s15] =	ssyncset.done $0x0  }
0x95: {  	[sflag:s15] =	ssyncadd.s32 $0xFFFFFFFF  }
0x96: {  	s16 =	sld [smem:$0x10];
	(tm) =	ssettm $0x1  }
0x97: {  	s17 =	sld [smem:$0x3FFB];
	_ =	sdelay $0x3  }
0x98: {  	_ =	strace s17  }
0x99: {  	s3 =	sld [smem:$0x3FFC];
	_ =	sdelay $0x3  }
0x9a: {  	_ =	strace s3  }
0x9b: {  	s3 =	sld [smem:$0x3FFD];
	_ =	sdelay $0x3  }
0x9c: {  	_ =	strace s3  }
0x9d: {  	_ =	strace $0x8FFFFFFF  }
0x9e: {  	s18 =	sld [smem:$0x3FDB];
	_ =	sdelay $0x1  }
0x9f: {  	s19 =	simm.s32 $_scs_section_size  }
0xa0: {  	s5 =	simm.s32 $_size__tile_overlayer_lowered;
	s6 =	simm.s32 $_tile_overlayer_lowered  }
0xa1: {  	s22 =	simm.s32 $0x1BFF;
	s21 =	sshll.u32 s6, $0x1;
	s3 =	sadd.s32 s19, s18  }
0xa2: {  	s7 =	simm.s32 $0x0;
	s20 =	sshll.u32 s5, $0x1;
	s5 =	sadd.s32 s21, s3  }
0xa3: {  	[timem:s7], [sflag:s22] =	dma.local [hbm:s5], s20  }
0xa4: {  	_ =	swait.ge [sflag:s22], s20  }
0xa5: {  	s4 =	ssub.s32 $0x0, s20;
	[sflag:s22] =	ssyncset.done $0x0  }
0xa6: {  	[sflag:s22] =	ssyncadd.s32 s4;
	_ =	sdelay $0x1  }
0xa7: {  	s23 =	simm.s32 $0x1B8B  }
0xa8: {  	_ =	swait.ge [sflag:s23], $0x1  }
0xa9: {  	[sflag:s23] =	ssyncset.done $0x0  }
0xaa: {  	s25 =	simm.s32 $0x1B8E;
	s24 =	sld [smem:$0x3FFE];
	[sflag:s23] =	ssyncadd.s32 $0xFFFFFFFF  }
0xab: {  	s26 =	simm.s32 $execute0_lowered;
	[smem:$0x3FD2] =	sst s25  }
0xac: {  	s5 =	sshll.u32 s26, $0x1;
	_ =	strace $0x80000046;
	[dreg:$0x1] =	wrdreg $0xFFFFFFFF  }
0xad: {  	s28 =	simm.s32 $_size_execute0_lowered;
	s3 =	sadd.s32 s3, s5;
	[dreg:$0x0] =	wrdreg $0x0  }
0xae: {  	s5 =	sshll.u32 s28, $0x1;
	[dreg:$0x2] =	wrdreg s3  }
0xaf: {  	[dreg:$0x3] =	wrdreg s5  }
0xb0: {  	[dreg:$0x4] =	wrdreg $0xC0  }
0xb1: {  	_ =	task [dreg:s7], $0x5FFFF  }
0xb2: {  	[dreg:$0x1] =	wrdreg $0xFFFFFFFF  }
0xb3: {  	[dreg:$0x0] =	wrdreg $0x60  }
0xb4: {  	[dreg:$0x2] =	wrdreg s16  }
0xb5: {  	[dreg:$0x3] =	wrdreg s24  }
0xb6: {  	[dreg:$0x4] =	wrdreg $0x16000  }
0xb7: {  	[dreg:$0x5] =	wrdreg $0x9  }
0xb8: {  	_ =	task.clear_ibuf [dreg:s7], $0x6FFFF;
	_ =	strace $0x90000046  }
0xb9: {  	s29 =	simm.s32 $0x9;
	_ =	strace $0x80000048  }
0xba: {  	_ =	swait.ge [sflag:s29], $0x1  }
0xbb: {  	[sflag:s29] =	ssyncadd.s32 $0xFFFFFFFF  }
0xbc: {  	_ =	strace $0x90000048  }
0xbd: {  	_ =	sfence  }
0xbe: {  	s30 =	sld [smem:$0x0];
	_ =	sdelay $0x2  }
0xbf: {  	s31 =	sshll.u32 s1, $0xD;
	s1 =	sshrl.u32 s1, $0x2  }
0xc0: {  	s3 =	sand.u32 $0x4000, s31;
	s1 =	sadd.s32 s1, s30  }
0xc1: {  	s0 =	sor.u32 s3, s0;
	s1 =	sshll.u32 s1, $0x11  }
0xc2: {  	s0 =	sor.u32 s1, s0  }
0xc3: {  	s0 =	sadd.s32 $0x8F2B, s0  }
0xc4: {  	[sflag:s0] =	ssyncadd.remote.s32 $0x1  }
0xc5: {  	_ =	sfence.sel $0xFFFF  }
0xc6: {  	[dreg:$0x0] =	wrdreg $0xFFFFFFFF;
	(pc) =	sbr.abs _section_cstart, $3  }
0xc7: {  	[dreg:$0x1] =	wrdreg $0xFFFFFFFF  }
0xc8: {  	_ =	task.clear_ibuf [dreg:s7], $0x2FFFF;
	_ =	strace $0x9FFFFFFF  }
0xc9: {  	(tm) =	ssettm $0x7FFFFFFF  }
tec
execute0_lowered:
.L_overlay_start_1:
0x0: {  	(tag) =	ssettag $0x1  }
0x1: {  	s4 =	rddreg [dreg:$0x0]  }
0x2: {  	s3 =	rddreg [dreg:$0x1]  }
0x3: {  	s1 =	rddreg [dreg:$0x2]  }
0x4: {  	s0 =	rddreg [dreg:$0x3]  }
0x5: {  	s2 =	simm.s32 $0x0;
	s5 =	srdreg.scid;
	s14 =	simm.s32 $0x80  }
0x6: {  	s15 =	simm.s32 $0x10;
	[smem:$0x7FF] =	sst s2;
	s5 =	sand.u32 $0x1, s5  }
0x7: {  	s16 =	simm.s32 $0x0;
	_ =	strace $0x80000047;
	s6 =	sshll.u32 s5, $0xD  }
0x8: {  	s7 =	ssub.s32 $0x2, s5;
	s6 =	sadd.s32 s6, s3;
	s3 =	stileid.u32  }
0x9: {  	s5 =	sshll.u32 s5, $0xA;
	s8 =	sshrl.u32 s7, $0x1;
	s9 =	sshll.u32 s3, $0xC  }
0xa: {  	s12 =	sshll.u32 s3, $0x6;
	s11 =	sshll.u32 s3, $0x3;
	s7 =	ssub.s32 s7, s8  }
0xb: {  	s8 =	simm.s32 $0x1;
	s10 =	sand.u32 $0x1000, s9;
	s4 =	sadd.s32 s4, s12  }
0xc: {  	s11 =	sand.u32 $0x70, s11;
	s7 =	smax.u32 s7, $0x1;
	s12 =	sor.u32 $0x1C01, s12  }
0xd: {  	v0 =	vlaneseq.u32;
	s6 =	sadd.s32 s10, s6;
	s4 =	sadd.s32 s5, s4;
	s5 =	sadd.s32 s9, s1  }
0xe: {  	v0 =	vand.u32 $0x7, v0;
	s9 =	simm.s32 $0x600;
	s10 =	simm.s32 $0x200;
	s6 =	sadd.s32 s11, s6  }
0xf: {  	v1 =	vimm.f32 $1.000000000e+00;
	v2 =	vimm.f32 $0.0e+00;
	v0 =	vmul.u32 $0x2000, v0;
	s11 =	simm.s32 $0x400;
	s13 =	sshrl.u32 s5, $0x3;
	s6 =	sadd.s32 $0x800, s6  }
.LBB2_1:
0x10: {  	[tilespmem:s2], [sflag:$0x1] =	stream.linear.gather [hbm4b:s4+s2], $0x200, $0x38;
	[tilespmem:$0x2600] =	vst v63  }
0x11: {  	_ =	swait.ge [sflag:s8], $0x200  }
0x12: {  	[sflag:s8] =	ssyncset.done $0x0  }
0x13: {  	s17 =	simm.s32 $0x0;
	[sflag:s8] =	ssyncadd.s32 $0xFFFFFE00  }
0x14: {  	v3 =	vld [tilespmem:s17+$0x0]  }
0x15: {  	s18 =	simm.s32 $0x40;
	[tilespmem:s17+$0x400] =	vst v1  }
.LBB2_2:
0x16: {  	p0 =	sne.s32 s18, $0x7C0  }
.Ltmp0:
0x17: {  	_ = 	snop;
	(pc) =	sbr.rel @p0 .LBB2_2-.Ltmp0, $4  }
0x18: {  	_ = 	snop  }
0x19: {  	s19 =	sshra.s32 s18, $0x2;
	s18 =	sadd.s32 $0x40, s18;
	v4 =	vadd.s32 v0, v3  }
0x1a: {  	v3 =	vld [tilespmem:s19+$0x0];
	[tilespmem:s17+$0x200] =	vst v4;
	s17 =	smov.u32 s19  }
0x1b: {  	[tilespmem:s17+$0x400] =	vst v1  }
0x1c: {  	_ =	sdelay $0x2  }
0x1d: {  	v3 =	vadd.s32 v0, v3  }
0x1e: {  	s18 =	simm.s32 $0x0;
	[tilespmem:s17+$0x200] =	vst v3;
	s17 =	simm.s32 $0x40  }
.LBB2_4:
0x1f: {  	p0 =	sne.s32 s17, $0x3FC0;
	[tilespmem:s18+$0x600] =	vst v2;
	s18 =	smov.u32 s17;
	s17 =	sadd.s32 $0x40, s17  }
.Ltmp1:
0x20: {  	(pc) =	sbr.rel @p0 .LBB2_4-.Ltmp1, $2  }
0x21: {  	_ =	sdelay $0x2  }
0x22: {  	s18 =	sshra.s32 s18, $0x2  }
0x23: {  	[tilespmem:s18+$0x600] =	vst v2  }
0x24: {  	[spmem:s5] =	stream.linear.scatter [tilespmem:s9], [sflag:$0x1], $0x1000, $0x38;
	[tilespmem:$0x2600] =	vst v63  }
0x25: {  	_ =	swait.ge [sflag:s8], $0x1000  }
0x26: {  	[sflag:s8] =	ssyncset.done $0x0  }
0x27: {  	[sflag:s8] =	ssyncadd.s32 $0xFFFFF000  }
0x28: {  	[bflag:$0x0] =	sbarrier.arrive $0xFFFF  }
0x29: {  	[spmem:s1] =	stream.indirect.scatter.add.f32 [tilespmem:s11], [sflag:$0x1], $0x1, s10, s10, $0xb8;
	[tilespmem:$0x2600] =	vst v63  }
0x2a: {  	_ =	swait.ge [sflag:s8], $0x200  }
0x2b: {  	s16 =	sadd.s32 $0x1, s16;
	[sflag:s8] =	ssyncset.done $0x0  }
0x2c: {  	p0 =	sne.s32 s16, s7;
	[sflag:s8] =	ssyncadd.s32 $0xFFFFFE00  }
.Ltmp2:
0x2d: {  	[bflag:$0x0] =	sbarrier.arrive $0xFFFF;
	(pc) =	sbr.rel @p0 .LBB2_1-.Ltmp2, $4  }
0x2e: {  	[hbm:s6@s14], [sflag:s12] =	dma.strided [spmem:s13@s15], $0x200, s8, $0x10   }
0x2f: {  	_ =	swait.ge [sflag:s8], $0x200  }
0x30: {  	[sflag:s8] =	ssyncset.done $0x0  }
0x31: {  	[sflag:s8] =	ssyncadd.s32 $0xFFFFFE00  }
0x32: {  	_ =	sfence.sel $0x180000  }
0x33: {  	[bflag:$0x0] =	sbarrier.arrive $0xFFFF  }
0x34: {  	p0 =	sne.s32 s3, $0x0;
	_ =	strace $0x90000047  }
0x35: {  	s0 =	sadd.s32 @!p0 $0x100000, s0;
	[bflag:$0x2] =	sbarrier.arrive $0xFFFF  }
0x36: {  	[sflag:s0] =	ssyncadd.tile.s32 @!p0 $0x1;
	_ =	shalt  }
.Lfunc_end2:
_tile_overlayer_lowered:
.L_overlay_start_2:
0x37: {  	(tag) =	ssettag $0x2  }
0x38: {  	s0 =	rddreg [dreg:$0x0];
	s2 =	stileid.u32  }
0x39: {  	s1 =	rddreg [dreg:$0x1];
	p0 =	sne.s32 s2, $0x0  }
0x3a: {  	s3 =	rddreg [dreg:$0x2];
	[bflag:$0x3] =	sbarrier.arrive $0xFFFF;
	s2 =	simm.s32 @!p0 $0x1C01  }
0x3b: {  	[timem:s3], [sflag:s2] =	dma.local @!p0 [hbm:s0], s1  }
0x3c: {  	s0 =	simm.s32 @!p0 $0x1  }
0x3d: {  	_ =	swait.ge @!p0 [sflag:s0], s1  }
0x3e: {  	s1 =	ssub.s32 @!p0 $0x0, s1;
	[sflag:s0] =	ssyncset.done @!p0 $0x0  }
0x3f: {  	[sflag:s0] =	ssyncadd.s32 @!p0 s1  }
0x40: {  	[bflag:$0x3] =	sbarrier.arrive $0xFFFF  }
0x41: {  	_ =	shalt  }

</sc_bundles>
